<compile_context>
chip_gen: v7x
topology: tpu7x:2x2x1
jax: 0.10.2.dev20260603
libtpu: 0.0.44.dev20260713+nightly
codegen_flags: <defaults>
</compile_context>

<pallas_src>
import functools

import jax
import jax.numpy as jnp
from jax import lax
from jax.experimental import pallas as pl
from jax.experimental.pallas import tpu as pltpu

B, S = 2, 2048
HS = 2048
QLR = 1536
H = 32
D = 128
R = 64
T = S
TOPK = 2048

S_BLK = 64
_SCALE = D ** -0.5
_BF = jnp.bfloat16


def _proj(hidden_states, q_resid, cos, sin, Wq_b, Wk, k_norm_gamma,
          k_norm_beta, Wp):
    b, s, _ = hidden_states.shape
    q = q_resid @ Wq_b.T
    q = q.reshape(b, s, H, D)
    c = cos[:, :, None, :]
    sn = sin[:, :, None, :]

    def rot(x):
        x1, x2 = jnp.split(x, 2, axis=-1)
        return jnp.concatenate([-x2, x1], axis=-1)

    q_pe = q[..., :R] * c + rot(q[..., :R]) * sn
    q = jnp.concatenate([q_pe, q[..., R:]], axis=-1)
    k = hidden_states @ Wk.T
    mu = jnp.mean(k, axis=-1, keepdims=True)
    var = jnp.mean((k - mu) ** 2, axis=-1, keepdims=True)
    k = (k - mu) / jnp.sqrt(var + 1e-6) * k_norm_gamma + k_norm_beta
    k_pe = k[..., :R][:, :, None, :] * c + rot(k[..., :R][:, :, None, :]) * sn
    k = jnp.concatenate([k_pe[:, :, 0, :], k[..., R:]], axis=-1)
    w = (hidden_states @ Wp.T) * (H ** -0.5)
    wt = w.astype(jnp.bfloat16).astype(jnp.float32)
    w4 = wt.reshape(b, s // S_BLK, S_BLK, H)
    eye = jnp.eye(S_BLK, dtype=jnp.float32)
    wmat = (eye[None, None, :, :, None] * w4[:, :, None, :, :]).reshape(
        b, s // S_BLK, S_BLK, S_BLK * H)
    return q.reshape(b, s * H, D), jnp.swapaxes(k, 1, 2), wmat


def _score_kernel(q_ref, kT_ref, wmat_ref, out_ref):
    q = q_ref[0]
    sc = lax.dot_general(q, kT_ref[0], (((1,), (0,)), ((), ())),
                         preferred_element_type=jnp.float32)
    r = jnp.maximum(sc * _SCALE, 0.0).astype(_BF).astype(jnp.float32)
    out_ref[0, :, :] = lax.dot_general(wmat_ref[0, 0], r,
                                       (((1,), (0,)), ((), ())),
                                       preferred_element_type=jnp.float32)


def _index_scores(hidden_states, q_resid, cos, sin, Wq_b, Wk, k_norm_gamma,
                  k_norm_beta, Wp):
    q, kT, w = _proj(hidden_states, q_resid, cos, sin, Wq_b, Wk,
                     k_norm_gamma, k_norm_beta, Wp)
    scores = pl.pallas_call(
        _score_kernel,
        grid=(B, S // S_BLK),
        in_specs=[
            pl.BlockSpec((1, S_BLK * H, D), lambda b, i: (b, i, 0)),
            pl.BlockSpec((1, D, T), lambda b, i: (b, 0, 0)),
            pl.BlockSpec((1, 1, S_BLK, S_BLK * H), lambda b, i: (b, i, 0, 0)),
        ],
        out_specs=pl.BlockSpec((1, S_BLK, T), lambda b, i: (b, i, 0)),
        out_shape=jax.ShapeDtypeStruct((B, S, T), jnp.float32),
    )(q, kT, w)
    return scores


def kernel(hidden_states, q_resid, cos, sin, Wq_b, Wk, k_norm_gamma,
           k_norm_beta, Wp):
    scores = _index_scores(hidden_states, q_resid, cos, sin, Wq_b, Wk,
                           k_norm_gamma, k_norm_beta, Wp)
    _, idx = lax.top_k(scores, TOPK)
    return idx

# --- scband reference (transcript-rebuilt; emitter-appended) ---
"""Pipeline reference for scband-dsaindexer-13829794693311 (READ-ONLY COPY).

The authoritative reference and input builder live on the scoring server;
editing this copy changes nothing except your own understanding.
"""

import jax, jax.numpy as jnp
import numpy as np

B, S = 2, 2048
HS = 2048      # hidden_size
QLR = 1536     # q_lora_rank
H = 32         # index_n_heads
D = 128        # index_head_dim
R = 64         # qk_rope_head_dim
TOPK = 2048    # index_topk


def rotate_half(x):
    x1, x2 = jnp.split(x, 2, axis=-1)
    return jnp.concatenate([-x2, x1], axis=-1)


def apply_rope(x, cos, sin):
    # x: [B, S, H, R]; cos/sin: [B, S, R] -> unsqueeze_dim=2
    c = cos[:, :, None, :]
    s = sin[:, :, None, :]
    return x * c + rotate_half(x) * s


def setup_inputs(seed: int = 0) -> dict:
    key = jax.random.key(seed)
    ks = jax.random.split(key, 8)
    hidden_states = jax.random.normal(ks[0], (B, S, HS), dtype=jnp.float32)
    q_resid = jax.random.normal(ks[1], (B, S, QLR), dtype=jnp.float32)
    cos = jax.random.uniform(ks[2], (B, S, R), dtype=jnp.float32)
    sin = jax.random.uniform(ks[3], (B, S, R), dtype=jnp.float32)
    # learned parameters
    Wq_b = jax.random.normal(ks[4], (H * D, QLR), dtype=jnp.float32) * 0.02
    Wk = jax.random.normal(ks[5], (D, HS), dtype=jnp.float32) * 0.02
    k_norm_gamma = jnp.ones((D,), dtype=jnp.float32)
    k_norm_beta = jnp.zeros((D,), dtype=jnp.float32)
    Wp = jax.random.normal(ks[6], (H, HS), dtype=jnp.float32) * 0.02
    return {"hidden_states": hidden_states, "q_resid": q_resid, "cos": cos, "sin": sin,
            "Wq_b": Wq_b, "Wk": Wk, "k_norm_gamma": k_norm_gamma, "k_norm_beta": k_norm_beta, "Wp": Wp}


def reference(hidden_states, q_resid, cos, sin, Wq_b, Wk, k_norm_gamma, k_norm_beta, Wp):
    b, s, _ = hidden_states.shape
    # q path: wq_b(q_resid) -> [B,S,H,D], rope on first R dims
    q = q_resid @ Wq_b.T
    q = q.reshape(b, s, H, D)
    q_pe = q[..., :R]
    q_nope = q[..., R:]
    q_pe = apply_rope(q_pe, cos, sin)
    q = jnp.concatenate([q_pe, q_nope], axis=-1)
    # k path: wk(hidden) -> LayerNorm -> rope on first R dims
    k = hidden_states @ Wk.T  # [B,S,D]
    mu = jnp.mean(k, axis=-1, keepdims=True)
    var = jnp.mean((k - mu) ** 2, axis=-1, keepdims=True)
    k = (k - mu) / jnp.sqrt(var + 1e-6) * k_norm_gamma + k_norm_beta
    k_pe = k[..., :R]
    k_nope = k[..., R:]
    k_pe = apply_rope(k_pe[:, :, None, :], cos, sin)[:, :, 0, :]
    k = jnp.concatenate([k_pe, k_nope], axis=-1)  # [B,S,D]
    # head weights
    weights = (hidden_states @ Wp.T).astype(jnp.float32) * (H ** (-0.5))  # [B,S,H]
    # scoring: einsum -> scale -> relu -> weighted sum over heads
    softmax_scale = D ** (-0.5)
    scores = jnp.einsum('bshd,btd->bsht', q.astype(jnp.float32), k.astype(jnp.float32)) * softmax_scale
    scores = jax.nn.relu(scores)
    index_scores = jnp.einsum('bsht,bsh->bst', scores, weights)  # [B,S,T]
    total_len = index_scores.shape[-1]
    topk = min(TOPK, total_len)
    _, idx = jax.lax.top_k(index_scores, topk)
    return idx

if __name__ == "__main__":
    import jax
    _d = setup_inputs()
    print(jax.jit(kernel)(*tuple(_d.values())))

</pallas_src>

<mosaic_0001>
module attributes {stable_mosaic.version = 14 : i64} {
  func.func @_score_kernel(%arg0: i32, %arg1: i32, %arg2: memref<1x2048x128xf32, #tpu.memory_space<vmem>>, %arg3: memref<1x128x2048xf32, #tpu.memory_space<vmem>>, %arg4: memref<1x1x64x2048xf32, #tpu.memory_space<vmem>>, %arg5: memref<1x64x2048xf32, #tpu.memory_space<vmem>>) attributes {dimension_semantics = [#tpu.dimension_semantics<arbitrary>, #tpu.dimension_semantics<arbitrary>], iteration_bounds = array<i64: 2, 32>, scalar_prefetch = 0 : i64, scratch_operands = 0 : i64, tpu.core_type = #tpu.core_type<tc>, window_params = [{transform_indices = @transform_0, window_bounds = array<i64: 1, 2048, 128>}, {transform_indices = @transform_1, window_bounds = array<i64: 1, 128, 2048>}, {transform_indices = @transform_2, window_bounds = array<i64: 1, 1, 64, 2048>}, {transform_indices = @transform_3, window_bounds = array<i64: 1, 64, 2048>}]} {
    %get3A = arith.constant 0 : index
    %get3A_0 = arith.constant 0 : index
    %get3A_1 = arith.constant 0 : index
    %get3A_2 = vector.load %arg2[%get3A, %get3A_0, %get3A_1] : memref<1x2048x128xf32, #tpu.memory_space<vmem>>, vector<1x2048x128xf32>
    %get3A_3 = vector.shape_cast %get3A_2 : vector<1x2048x128xf32> to vector<2048x128xf32>
    %get3A_4 = arith.constant 0 : index
    %get3A_5 = arith.constant 0 : index
    %get3A_6 = arith.constant 0 : index
    %get3A_7 = vector.load %arg3[%get3A_4, %get3A_5, %get3A_6] : memref<1x128x2048xf32, #tpu.memory_space<vmem>>, vector<1x128x2048xf32>
    %get3A_8 = vector.shape_cast %get3A_7 : vector<1x128x2048xf32> to vector<128x2048xf32>
    %dot_general3A = arith.constant dense<0.000000e+00> : vector<2048x2048xf32>
    %dot_general3A_9 = tpu.matmul %get3A_3, %get3A_8, %dot_general3A {dimension_numbers = #tpu.dot_dimension_numbers<[1], [0], [0], [1], [0, 0, 1, 1], [], []>, transpose_lhs_hint = false} : vector<2048x128xf32>, vector<128x2048xf32>, vector<2048x2048xf32> -> vector<2048x2048xf32>
    %mul3A = arith.constant 0.0883883461 : f32
    %mul3A_10 = vector.broadcast %mul3A : f32 to vector<2048x2048xf32>
    %mul3A_11 = arith.mulf %dot_general3A_9, %mul3A_10 : vector<2048x2048xf32>
    %max3A = arith.constant 0.000000e+00 : f32
    %max3A_12 = vector.broadcast %max3A : f32 to vector<2048x2048xf32>
    %max3A_13 = arith.maximumf %mul3A_11, %max3A_12 : vector<2048x2048xf32>
    %convert_element_type3A = arith.truncf %max3A_13 : vector<2048x2048xf32> to vector<2048x2048xbf16>
    %convert_element_type3A_14 = arith.extf %convert_element_type3A : vector<2048x2048xbf16> to vector<2048x2048xf32>
    %get3A_15 = arith.constant 0 : index
    %get3A_16 = arith.constant 0 : index
    %get3A_17 = arith.constant 0 : index
    %get3A_18 = arith.constant 0 : index
    %get3A_19 = vector.load %arg4[%get3A_15, %get3A_16, %get3A_17, %get3A_18] : memref<1x1x64x2048xf32, #tpu.memory_space<vmem>>, vector<1x1x64x2048xf32>
    %get3A_20 = vector.shape_cast %get3A_19 : vector<1x1x64x2048xf32> to vector<64x2048xf32>
    %dot_general3A_21 = arith.constant dense<0.000000e+00> : vector<64x2048xf32>
    %dot_general3A_22 = tpu.matmul %get3A_20, %convert_element_type3A_14, %dot_general3A_21 {dimension_numbers = #tpu.dot_dimension_numbers<[1], [0], [0], [1], [0, 0, 1, 1], [], []>, transpose_lhs_hint = false} : vector<64x2048xf32>, vector<2048x2048xf32>, vector<64x2048xf32> -> vector<64x2048xf32>
    %swap3A = arith.constant 0 : index
    %swap3A_23 = arith.constant 0 : index
    %swap3A_24 = arith.constant 0 : index
    %swap3A_25 = vector.load %arg5[%swap3A, %swap3A_23, %swap3A_24] : memref<1x64x2048xf32, #tpu.memory_space<vmem>>, vector<1x64x2048xf32>
    %swap3A_26 = vector.shape_cast %swap3A_25 : vector<1x64x2048xf32> to vector<64x2048xf32>
    %swap3A_27 = vector.shape_cast %dot_general3A_22 : vector<64x2048xf32> to vector<1x64x2048xf32>
    tpu.vector_store %arg5[%swap3A, %swap3A_23, %swap3A_24], %swap3A_27 {strides = array<i32>} : memref<1x64x2048xf32, #tpu.memory_space<vmem>>, vector<1x64x2048xf32>,
    return
  }
  func.func @transform_0(%arg0: i32, %arg1: i32) -> (i32, i32, i32) {
    %c0_i32 = arith.constant 0 : i32
    %c0_i32_0 = arith.constant 0 : i32
    return %arg0, %arg1, %c0_i32 : i32, i32, i32
  }
  func.func @transform_1(%arg0: i32, %arg1: i32) -> (i32, i32, i32) {
    %c0_i32 = arith.constant 0 : i32
    %c0_i32_0 = arith.constant 0 : i32
    %c0_i32_1 = arith.constant 0 : i32
    return %arg0, %c0_i32, %c0_i32_0 : i32, i32, i32
  }
  func.func @transform_2(%arg0: i32, %arg1: i32) -> (i32, i32, i32, i32) {
    %c0_i32 = arith.constant 0 : i32
    %c0_i32_0 = arith.constant 0 : i32
    %c0_i32_1 = arith.constant 0 : i32
    return %arg0, %arg1, %c0_i32, %c0_i32_0 : i32, i32, i32, i32
  }
  func.func @transform_3(%arg0: i32, %arg1: i32) -> (i32, i32, i32) {
    %c0_i32 = arith.constant 0 : i32
    %c0_i32_0 = arith.constant 0 : i32
    return %arg0, %arg1, %c0_i32 : i32, i32, i32
  }
}

</mosaic_0001>

<sc_bundles>
// kernel: sparse-core-data-format-call.cloned.1.call-start
scs
called_computation_lowered:
.L_overlay_start_0:
0x0: {  	s1 =	sld [smem:$0x3FD9]  }
0x1: {  	s2 =	sld [smem:$0x3FFE];
	_ =	sdelay $0x1  }
0x2: {  	s3 =	srdreg.scid  }
0x3: {  	s0 =	sand.u32 $0x1, s3  }
0x4: {  	s17 =	sshll.u32 s0, $0xA;
	s1 =	sadd.s32 s2, s1  }
0x5: {  	s1 =	sadd.s32 s1, s17  }
0x6: {  	[smem:$0x3FBF] =	sst s1  }
0x7: {  	_ = 	snop  }
0x8: {  	(tm) =	ssettm $0x1  }
0x9: {  	s18 =	sld [smem:$0x3FFB];
	_ =	sdelay $0x3  }
0xa: {  	_ =	strace s18  }
0xb: {  	s1 =	sld [smem:$0x3FFC];
	_ =	sdelay $0x3  }
0xc: {  	_ =	strace s1  }
0xd: {  	s1 =	sld [smem:$0x3FFD];
	_ =	sdelay $0x3  }
0xe: {  	_ =	strace s1  }
0xf: {  	_ =	strace $0x8FFFFFFF  }
0x10: {  	s19 =	sld [smem:$0x3FDB];
	_ =	sdelay $0x1  }
0x11: {  	s20 =	simm.s32 $_scs_section_size  }
0x12: {  	s4 =	simm.s32 $_size__tile_overlayer_lowered;
	s5 =	simm.s32 $_tile_overlayer_lowered  }
0x13: {  	s23 =	simm.s32 $0x1BFF;
	s22 =	sshll.u32 s5, $0x1;
	s1 =	sadd.s32 s20, s19  }
0x14: {  	s6 =	simm.s32 $0x0;
	s21 =	sshll.u32 s4, $0x1;
	s4 =	sadd.s32 s22, s1  }
0x15: {  	[timem:s6], [sflag:s23] =	dma.local [hbm:s4], s21  }
0x16: {  	_ =	swait.ge [sflag:s23], s21  }
0x17: {  	s2 =	ssub.s32 $0x0, s21;
	[sflag:s23] =	ssyncset.done $0x0  }
0x18: {  	[sflag:s23] =	ssyncadd.s32 s2;
	_ =	sdelay $0x1  }
0x19: {  	s24 =	simm.s32 $0x1B8B  }
0x1a: {  	_ =	swait.ge [sflag:s24], $0x1  }
0x1b: {  	[sflag:s24] =	ssyncset.done $0x0  }
0x1c: {  	s26 =	simm.s32 $0x1B8E;
	s25 =	sld [smem:$0x3FFE];
	[sflag:s24] =	ssyncadd.s32 $0xFFFFFFFF  }
0x1d: {  	s27 =	simm.s32 $execute0_lowered;
	[smem:$0x3FD2] =	sst s26  }
0x1e: {  	s4 =	sshll.u32 s27, $0x1;
	_ =	strace $0x80000046;
	[dreg:$0x1] =	wrdreg $0xFFFFFFFF  }
0x1f: {  	s28 =	simm.s32 $_size_execute0_lowered;
	s1 =	sadd.s32 s1, s4;
	[dreg:$0x0] =	wrdreg $0x0  }
0x20: {  	s4 =	sshll.u32 s28, $0x1;
	[dreg:$0x2] =	wrdreg s1  }
0x21: {  	[dreg:$0x3] =	wrdreg s4  }
0x22: {  	[dreg:$0x4] =	wrdreg $0xC0  }
0x23: {  	_ =	task [dreg:s6], $0x5FFFF  }
0x24: {  	[dreg:$0x1] =	wrdreg $0xFFFFFFFF  }
0x25: {  	[dreg:$0x0] =	wrdreg $0x60  }
0x26: {  	[dreg:$0x2] =	wrdreg s25  }
0x27: {  	[dreg:$0x3] =	wrdreg $0x9  }
0x28: {  	_ =	task.clear_ibuf [dreg:s6], $0x4FFFF;
	_ =	strace $0x90000046  }
0x29: {  	s29 =	simm.s32 $0x9;
	_ =	strace $0x80000048  }
0x2a: {  	_ =	swait.ge [sflag:s29], $0x1  }
0x2b: {  	[sflag:s29] =	ssyncadd.s32 $0xFFFFFFFF  }
0x2c: {  	_ =	strace $0x90000048  }
0x2d: {  	_ =	sfence  }
0x2e: {  	s30 =	sld [smem:$0x0];
	_ =	sdelay $0x2  }
0x2f: {  	s31 =	sshll.u32 s3, $0xD;
	s3 =	sshrl.u32 s3, $0x2  }
0x30: {  	s2 =	sand.u32 $0x4000, s31;
	s1 =	sadd.s32 s3, s30  }
0x31: {  	s0 =	sor.u32 s2, s0;
	s1 =	sshll.u32 s1, $0x11  }
0x32: {  	s0 =	sor.u32 s1, s0  }
0x33: {  	s0 =	sadd.s32 $0x8F2B, s0  }
0x34: {  	[sflag:s0] =	ssyncadd.remote.s32 $0x1  }
0x35: {  	_ =	sfence.sel $0xFFFF  }
0x36: {  	[dreg:$0x0] =	wrdreg $0xFFFFFFFF;
	(pc) =	sbr.abs _section_cstart, $3  }
0x37: {  	[dreg:$0x1] =	wrdreg $0xFFFFFFFF  }
0x38: {  	_ =	task.clear_ibuf [dreg:s6], $0x2FFFF;
	_ =	strace $0x9FFFFFFF  }
0x39: {  	(tm) =	ssettm $0x7FFFFFFF  }
tec
execute0_lowered:
.L_overlay_start_1:
0x0: {  	(tag) =	ssettag $0x1  }
0x1: {  	s2 =	rddreg [dreg:$0x0]  }
0x2: {  	s0 =	rddreg [dreg:$0x1];
	_ =	strace $0x80000047;
	s4 =	srdreg.scid  }
0x3: {  	s1 =	stileid.u32;
	s6 =	simm.s32 $0x2;
	s11 =	simm.s32 $0x0  }
.Ltmp0:
0x4: {  	p0 =	por $0x0, $0x0;
	s7 =	simm.s32 $0x1000;
	(pc) =	sbr.rel .LBB1_1-.Ltmp0, $4  }
0x5: {  	s12 =	simm.s32 $0x0;
	s9 =	simm.s32 $0x0;
	s5 =	sshll.u32 s4, $0x4  }
0x6: {  	s8 =	simm.s32 $0x0;
	s4 =	simm.s32 $0x1;
	s5 =	sand.u32 $0x10, s5  }
0x7: {  	s3 =	sadd.s32 $0x200000, s2;
	[sflag:s4] =	ssyncpa.u1 $0x0;
	s5 =	sor.u32 s1, s5  }
0x8: {  	[sflag:s6] =	ssyncpa.u1 $0x0;
	s6 =	simm.s32 $0x800;
	s10 =	smov.u32 s5  }
.LBB1_7:
0x9: {  	s13 =	sadd.s32 $0x10, s9  }
0xa: {  	s11 =	sadd.s32 $0x20, s10;
	s15 =	smov.u32 s10;
	p2 =	sgt.s32 s13, $0x1F  }
0xb: {  	p1 =	slt.u32 s8, $0x2;
	s15 =	smov.u32 @p2 s11  }
0xc: {  	s8 =	sadd.s32 $0x1, s8;
	s13 =	simm.s32 @p2 $0x0;
	p2 =	sgt.s32 s15, $0x1FF  }
0xd: {  	s15 =	smov.u32 @p2 s5;
	p2 =	sne.s32 s8, $0x22  }
.Ltmp1:
0xe: {  	_ = 	snop;
	(pc) =	sbr.rel @!p2 .LBB1_8-.Ltmp1, $4  }
0xf: {  	s14 =	simm.s32 @!p1 $0x2  }
0x10: {  	s12 =	smov.u32 s10;
	_ =	swait.ge @!p1 [sflag:s14], $0x4000  }
0x11: {  	p0 =	por !p0, !p0;
	s11 =	smov.u32 s9;
	[sflag:s14] =	ssyncset.done @!p1 $0x0  }
0x12: {  	s9 =	smov.u32 s13;
	[sflag:s14] =	ssyncadd.s32 @!p1 $0xFFFFC000;
	s10 =	smov.u32 s15  }
.LBB1_1:
0x13: {  	p1 =	sgt.u32 s8, $0x1F  }
0x14: {  	s13 =	sxor.u32 @!p1 $0xFFFFFFFF, s8;
	s14 =	sshll.u32 @!p1 s10, $0xC  }
0x15: {  	s15 =	sshll.u32 @!p1 s9, $0x7;
	s13 =	sshll.u32 @!p1 s13, $0xE;
	s14 =	sadd.s32 @!p1 s2, s14  }
0x16: {  	s13 =	sand.u32 @!p1 $0x4000, s13;
	s14 =	sadd.s32 @!p1 s15, s14;
	s15 =	simm.s32 @!p1 $0x0  }
0x17: {  	[tilespmem:s13], [sflag:$0x1] =	stream.linear.gather @!p1 [hbm4b:s14+s15], $0x4000, $0x38;
	[tilespmem:$0x10000] =	vst v63  }
0x18: {  	p1 =	seq.s32 s8, $0x0  }
0x19: {  	p2 =	seq.s32 @!p1 s8, $0x21  }
0x1a: {  	p1 =	por p1, p2  }
.Ltmp2:
0x1b: {  	_ = 	snop;
	(pc) =	sbr.rel @p1 .LBB1_7-.Ltmp2, $1  }
0x1c: {  	_ =	sdelay $0x3  }
0x1d: {  	s13 =	simm.s32 $0x1;
	_ =	swait.ge [sflag:s4], $0x4000;
	s16 =	sshll.u32 s8, $0xE  }
0x1e: {  	s13 =	simm.s32 @!p0 $0x0;
	[sflag:s4] =	ssyncset.done $0x0;
	s31 =	sand.u32 $0x4000, s16  }
0x1f: {  	s16 =	simm.s32 $0x0;
	s14 =	sshll.u32 s13, $0xE;
	[sflag:s4] =	ssyncadd.s32 $0xFFFFC000  }
0x20: {  	s13 =	sor.u32 $0x8040, s14;
	s15 =	sor.u32 $0x40, s14;
	s14 =	sor.u32 $0x8000, s31  }
.LBB1_3:
0x21: {  	v0 =	vmov s15;
	_ =	sdelay $0x3  }
0x22: {  	s18 =	simm.s32 $0x0  }
0x23: {  	v6 =	vld.idx.msk [tilespmem:v0+s18+$0x30 ss:$0x1], $0xffff  }
0x24: {  	v7 =	vld.idx.msk [tilespmem:v0+s18+$0xFFFFFFC0 ss:$0x1], $0xffff  }
0x25: {  	v5 =	vld.idx.msk [tilespmem:v0+s18+$0xFFFFFFD0 ss:$0x1], $0xffff  }
0x26: {  	v4 =	vld.idx.msk [tilespmem:v0+s18+$0xFFFFFFE0 ss:$0x1], $0xffff  }
0x27: {  	v3 =	vld.idx.msk [tilespmem:v0+s18+$0xFFFFFFF0 ss:$0x1], $0xffff  }
0x28: {  	v1 =	vld.idx.msk [tilespmem:v0+s18+$0x0 ss:$0x1], $0xffff  }
0x29: {  	v2 =	vld.idx.msk [tilespmem:v0+s18+$0x10 ss:$0x1], $0xffff;
	[tilespmem:s13+$0x30] =	vst v6  }
0x2a: {  	s17 =	simm.s32 $0x80;
	s19 =	simm.s32 $0x400;
	[tilespmem:s13+$0xFFFFFFC0] =	vst v7;
	v6 =	vld.idx.msk [tilespmem:v0+s18+$0x20 ss:$0x1], $0xffff;
	s18 =	smov.u32 s13  }
.LBB1_4:
0x2b: {  	p1 =	sne.s32 s19, $0xE00;
	v7 =	vld.idx.msk [tilespmem:v0+s17+$0x30 ss:$0x1], $0xffff;
	[tilespmem:s18+$0xFFFFFFD0] =	vst v5  }
0x2c: {  	v8 =	vld.idx.msk [tilespmem:v0+s17+$0xFFFFFFC0 ss:$0x1], $0xffff;
	[tilespmem:s18+$0xFFFFFFE0] =	vst v4  }
0x2d: {  	v5 =	vld.idx.msk [tilespmem:v0+s17+$0xFFFFFFD0 ss:$0x1], $0xffff;
	[tilespmem:s18+$0xFFFFFFF0] =	vst v3  }
.Ltmp3:
0x2e: {  	v4 =	vld.idx.msk [tilespmem:v0+s17+$0xFFFFFFE0 ss:$0x1], $0xffff;
	[tilespmem:s18+$0x0] =	vst v1;
	(pc) =	sbr.rel @p1 .LBB1_4-.Ltmp3, $4  }
0x2f: {  	v3 =	vld.idx.msk [tilespmem:v0+s17+$0xFFFFFFF0 ss:$0x1], $0xffff;
	[tilespmem:s18+$0x10] =	vst v2  }
0x30: {  	v1 =	vld.idx.msk [tilespmem:v0+s17+$0x0 ss:$0x1], $0xffff;
	[tilespmem:s18+$0x20] =	vst v6;
	s18 =	sadd.s32 $0x800, s18  }
0x31: {  	v2 =	vld.idx.msk [tilespmem:v0+s17+$0x10 ss:$0x1], $0xffff;
	[tilespmem:s18+$0x30] =	vst v7  }
0x32: {  	[tilespmem:s18+$0xFFFFFFC0] =	vst v8;
	v6 =	vld.idx.msk [tilespmem:v0+s17+$0x20 ss:$0x1], $0xffff;
	s17 =	sshra.s32 s19, $0x2;
	s19 =	sadd.s32 $0x200, s19  }
0x33: {  	_ =	sdelay $0x2  }
0x34: {  	[tilespmem:s18+$0xFFFFFFD0] =	vst v5  }
0x35: {  	v56 =	vld.idx.msk [tilespmem:v0+s17+$0x30 ss:$0x1], $0xffff;
	[tilespmem:s18+$0xFFFFFFE0] =	vst v4  }
0x36: {  	v57 =	vld.idx.msk [tilespmem:v0+s17+$0xFFFFFFC0 ss:$0x1], $0xffff;
	[tilespmem:s18+$0xFFFFFFF0] =	vst v3  }
0x37: {  	v58 =	vld.idx.msk [tilespmem:v0+s17+$0xFFFFFFD0 ss:$0x1], $0xffff;
	[tilespmem:s18+$0x0] =	vst v1  }
0x38: {  	v59 =	vld.idx.msk [tilespmem:v0+s17+$0xFFFFFFE0 ss:$0x1], $0xffff;
	[tilespmem:s18+$0x10] =	vst v2  }
0x39: {  	v60 =	vld.idx.msk [tilespmem:v0+s17+$0xFFFFFFF0 ss:$0x1], $0xffff;
	s31 =	sadd.s32 $0x800, s18;
	[tilespmem:s18+$0x20] =	vst v6  }
0x3a: {  	v61 =	vld.idx.msk [tilespmem:v0+s17+$0x0 ss:$0x1], $0xffff;
	[tilespmem:s31+$0x30] =	vst v56  }
0x3b: {  	v62 =	vld.idx.msk [tilespmem:v0+s17+$0x10 ss:$0x1], $0xffff;
	s16 =	sadd.s32 $0x1, s16;
	[tilespmem:s31+$0xFFFFFFC0] =	vst v57  }
0x3c: {  	v63 =	vld.idx.msk [tilespmem:v0+s17+$0x20 ss:$0x1], $0xffff;
	p1 =	sne.s32 s16, $0x10;
	[tilespmem:s31+$0xFFFFFFD0] =	vst v58  }
.Ltmp4:
0x3d: {  	[tilespmem:s31+$0xFFFFFFE0] =	vst v59;
	(pc) =	sbr.rel @p1 .LBB1_3-.Ltmp4, $4  }
0x3e: {  	[tilespmem:s31+$0xFFFFFFF0] =	vst v60  }
0x3f: {  	[tilespmem:s31+$0x0] =	vst v61  }
0x40: {  	[tilespmem:s31+$0x10] =	vst v62  }
0x41: {  	s13 =	sadd.s32 $0x80, s13;
	s15 =	sadd.s32 $0x400, s15;
	[tilespmem:s31+$0x20] =	vst v63  }
.Ltmp5:
0x42: {  	(pc) =	sbr.rel .LBB1_7-.Ltmp5, $4  }
0x43: {  	s12 =	sshll.u32 s12, $0xC;
	s11 =	sshll.u32 s11, $0x4  }
0x44: {  	s11 =	sand.u32 $0x1F0, s11;
	s12 =	sadd.s32 s3, s12  }
0x45: {  	s11 =	sadd.s32 s11, s12  }
0x46: {  	[hbm4b:s11+s6] =	stream.strided.scatter [tilespmem:s14], [sflag:$0x2], $0x4000, s7, s6, $0x38;
	[tilespmem:$0x10000] =	vst v63  }
.LBB1_8:
0x47: {  	_ =	sfence.sel $0x180000  }
0x48: {  	s2 =	simm.s32 $0x1;
	[bflag:$0x0] =	sbarrier.arrive $0xFFFF  }
0x49: {  	s31 =	simm.s32 $0x2;
	[sflag:s2] =	ssyncpa.u1 $0x1  }
0x4a: {  	[sflag:s31] =	ssyncpa.u1 $0x1  }
0x4b: {  	p0 =	sne.s32 s1, $0x0;
	_ =	strace $0x90000047  }
0x4c: {  	s0 =	sadd.s32 @!p0 $0x100000, s0;
	[bflag:$0x2] =	sbarrier.arrive $0xFFFF  }
0x4d: {  	[sflag:s0] =	ssyncadd.tile.s32 @!p0 $0x1;
	_ =	shalt  }
.Lfunc_end1:
_tile_overlayer_lowered:
.L_overlay_start_2:
0x4e: {  	(tag) =	ssettag $0x2  }
0x4f: {  	s0 =	rddreg [dreg:$0x0];
	s2 =	stileid.u32  }
0x50: {  	s1 =	rddreg [dreg:$0x1];
	p0 =	sne.s32 s2, $0x0  }
0x51: {  	s3 =	rddreg [dreg:$0x2];
	[bflag:$0x3] =	sbarrier.arrive $0xFFFF;
	s2 =	simm.s32 @!p0 $0x1C01  }
0x52: {  	[timem:s3], [sflag:s2] =	dma.local @!p0 [hbm:s0], s1  }
0x53: {  	s0 =	simm.s32 @!p0 $0x1  }
0x54: {  	_ =	swait.ge @!p0 [sflag:s0], s1  }
0x55: {  	s1 =	ssub.s32 @!p0 $0x0, s1;
	[sflag:s0] =	ssyncset.done @!p0 $0x0  }
0x56: {  	[sflag:s0] =	ssyncadd.s32 @!p0 s1  }
0x57: {  	[bflag:$0x3] =	sbarrier.arrive $0xFFFF  }
0x58: {  	_ =	shalt  }

</sc_bundles>
